<compile_context>
chip_gen: v7x
topology: tpu7x:2x2x1
jax: 0.10.2.dev20260603
libtpu: 0.0.44.dev20260713+nightly
codegen_flags: <defaults>
</compile_context>

<pallas_src>
import functools

import jax
import jax.numpy as jnp
from jax import lax
from jax.experimental import pallas as pl
from jax.experimental.pallas import tpu as pltpu
from jax.experimental.pallas import tpu_sc as plsc

NC = 2
NS = 16
L = 16
NW = NC * NS


@functools.partial(jax.jit, static_argnums=(3,))
def _unpool_materialize(x_flat, idx_flat, win, n_out):
    P, N_IN = x_flat.shape
    n_eighths = 8
    SEG = n_out // n_eighths
    TASKS = P * n_eighths
    CH = 8192

    mesh = plsc.VectorSubcoreMesh(core_axis_name="c", subcore_axis_name="s")

    @functools.partial(
        pl.kernel,
        out_type=jax.ShapeDtypeStruct((P * n_out,), jnp.float32),
        mesh=mesh,
        compiler_params=pltpu.CompilerParams(needs_layout_passes=False),
        scratch_types=[
            pltpu.VMEM((SEG,), jnp.float32),
            pltpu.VMEM((SEG,), jnp.int32),
            pltpu.VMEM((CH,), jnp.int32),
            pltpu.VMEM((CH,), jnp.float32),
        ],
    )
    def body(x_hbm, idx_hbm, win_hbm, out_hbm, qbuf, wbuf, ibuf, xbuf):
        wid = lax.axis_index("s") * NC + lax.axis_index("c")
        zeros = jnp.zeros((L,), jnp.float32)
        lane = lax.iota(jnp.int32, L)

        def task_loop(t, carry):
            task = wid + t * NW
            p = task // n_eighths
            e = task % n_eighths
            base = e * SEG

            def zloop(i, c):
                qbuf[pl.ds(i * (4 * L), L)] = zeros
                qbuf[pl.ds(i * (4 * L) + L, L)] = zeros
                qbuf[pl.ds(i * (4 * L) + 2 * L, L)] = zeros
                qbuf[pl.ds(i * (4 * L) + 3 * L, L)] = zeros
                return c

            lax.fori_loop(0, SEG // (4 * L), zloop, 0)
            pltpu.sync_copy(win_hbm.at[pl.ds(p * n_out + base, SEG)], wbuf)

            def chunk_loop(ci, c):
                off = ci * CH
                pltpu.sync_copy(idx_hbm.at[p, pl.ds(off, CH)], ibuf)
                pltpu.sync_copy(x_hbm.at[p, pl.ds(off, CH)], xbuf)
                gid0 = p * N_IN + off + 1

                def scan_loop(j, cc):
                    for k in range(4):
                        o = j * (4 * L) + k * L
                        iv = ibuf[pl.ds(o, L)]
                        xv = xbuf[pl.ds(o, L)]
                        local = iv - base
                        m = (local >= 0) & (local < SEG)
                        localc = jnp.minimum(
                            jnp.maximum(local, 0), SEG - 1
                        )
                        wv = plsc.load_gather(wbuf, [localc], mask=m)
                        won = m & (wv == (gid0 + o) + lane)
                        plsc.store_scatter(qbuf, [localc], xv, mask=won)
                    return cc

                lax.fori_loop(0, CH // (4 * L), scan_loop, 0)
                return c

            lax.fori_loop(0, N_IN // CH, chunk_loop, 0)
            pltpu.sync_copy(qbuf, out_hbm.at[pl.ds(p * n_out + base, SEG)])
            return carry

        lax.fori_loop(0, TASKS // NW, task_loop, 0)

    return body(x_flat, idx_flat, win)


def kernel(x, idx, x1):
    B, C, H, W = x.shape
    Hout, Wout = x1.shape[2], x1.shape[3]
    n = Hout * Wout
    P = B * C
    NT = P * H * W
    idf = idx.reshape(P, H * W).astype(jnp.int32)
    rows = jnp.arange(P, dtype=jnp.int32) * n
    fi = (idf + rows[:, None]).reshape(-1)
    ids = jnp.arange(1, NT + 1, dtype=jnp.int32)
    win = jnp.zeros((P * n,), jnp.int32).at[fi].set(ids)
    out = _unpool_materialize(x.reshape(P, H * W), idf, win, n)
    return out.reshape(B, C, Hout, Wout)

# --- scband reference (transcript-rebuilt; emitter-appended) ---
"""Pipeline reference for scband-un-pool-65395172049641 (READ-ONLY COPY).

The authoritative reference and input builder live on the scoring server;
editing this copy changes nothing except your own understanding.
"""

import jax, jax.numpy as jnp
import numpy as np


def setup_inputs(seed: int = 0) -> dict:
    key = jax.random.key(seed)
    k1, k2, k3 = jax.random.split(key, 3)
    x = jax.random.normal(k1, (2, 96, 256, 256), dtype=jnp.float32)
    # MaxUnpool2d indices: flat indices into the Hout*Wout spatial plane per (b, c)
    idx = jax.random.randint(k2, (2, 96, 256, 256), 0, 512 * 512, dtype=jnp.int32)
    x1 = jax.random.normal(k3, (2, 96, 512, 512), dtype=jnp.float32)
    return {"x": x, "idx": idx, "x1": x1}


def reference(x, idx, x1):
    # Faithful nn.MaxUnpool2d(kernel_size=2, stride=2) with output_size = x1.size():
    # zeros of shape x1, then scatter-overwrite x values at flat spatial positions idx
    # within each (b, c) plane.
    B, C, H, W = x.shape
    Hout, Wout = x1.shape[2], x1.shape[3]
    n = Hout * Wout
    rows = jnp.arange(B * C, dtype=jnp.int32) * n
    flat_idx = (idx.reshape(B * C, H * W).astype(jnp.int32) + rows[:, None]).reshape(-1)
    out_flat = jnp.zeros((B * C * n,), dtype=x.dtype).at[flat_idx].set(x.reshape(-1))
    return out_flat.reshape(B, C, Hout, Wout)

if __name__ == "__main__":
    import jax
    _d = setup_inputs()
    print(jax.jit(kernel)(*tuple(_d.values())))

</pallas_src>

<mosaic_0001>
#map = affine_map<(d0, d1) -> (0, 0)>
#map1 = affine_map<(d0, d1) -> (0)>
module attributes {stable_mosaic.version = 14 : i64} {
  func.func @body(%arg0: i32, %arg1: i32, %arg2: memref<192x65536xf32, #tpu.memory_space<hbm>>, %arg3: memref<192x65536xi32, #tpu.memory_space<hbm>>, %arg4: memref<50331648xi32, #tpu.memory_space<hbm>>, %arg5: memref<50331648xf32, #tpu.memory_space<hbm>>, %arg6: memref<32768xf32, #tpu.memory_space<vmem>>, %arg7: memref<32768xi32, #tpu.memory_space<vmem>>, %arg8: memref<8192xi32, #tpu.memory_space<vmem>>, %arg9: memref<8192xf32, #tpu.memory_space<vmem>>) attributes {dimension_semantics = [#tpu.dimension_semantics<core_parallel>, #tpu.dimension_semantics<subcore_parallel>], iteration_bounds = array<i64: 2, 16>, scalar_prefetch = 0 : i64, scratch_operands = 4 : i64, tpu.core_type = #tpu.core_type<sc_vector_subcore>, window_params = [{transform_indices = #map}, {transform_indices = #map}, {transform_indices = #map1}, {transform_indices = #map1}]} {
    %mul3A = arith.constant 2 : i32
    %mul3A_0 = arith.muli %arg1, %mul3A : i32
    %add3A = arith.addi %mul3A_0, %arg0 : i32
    %broadcast_in_dim3A = arith.constant 0.000000e+00 : f32
    %broadcast_in_dim3A_1 = vector.broadcast %broadcast_in_dim3A : f32 to vector<16xf32>
    %iota3A = tpu.iota {dimensions = array<i32: 0>} : vector<16xi32>
    %scan3A = arith.constant 0 : i32
    %scan3A_2 = arith.constant 0 : i32
    %scan3A_3 = arith.constant 48 : i32
    %scan3A_4 = arith.addi %scan3A_2, %scan3A_3 : i32
    %scan3A_5 = arith.constant 1 : i32
    scf.for %scan3A_7 = %scan3A_2 to %scan3A_4 step %scan3A_5  : i32 {
      %mul3A_8 = arith.constant 32 : i32
      %mul3A_9 = arith.muli %scan3A_7, %mul3A_8 : i32
      %add3A_10 = arith.addi %add3A, %mul3A_9 : i32
      %jit3A = arith.constant 8 : i32
      %div3A = arith.divsi %add3A_10, %jit3A : i32
      %sign3A = arith.constant 0 : i32
      %sign3A_11 = arith.cmpi sgt, %add3A_10, %sign3A : i32
      %sign3A_12 = arith.extui %sign3A_11 : i1 to i32
      %sign3A_13 = arith.constant 0 : i32
      %sign3A_14 = arith.cmpi slt, %add3A_10, %sign3A_13 : i32
      %sign3A_15 = arith.extui %sign3A_14 : i1 to i32
      %sign3A_16 = arith.subi %sign3A_12, %sign3A_15 : i32
      %sign3A_17 = arith.constant 0 : i32
      %sign3A_18 = arith.cmpi sgt, %jit3A, %sign3A_17 : i32
      %sign3A_19 = arith.extui %sign3A_18 : i1 to i32
      %sign3A_20 = arith.constant 0 : i32
      %sign3A_21 = arith.cmpi slt, %jit3A, %sign3A_20 : i32
      %sign3A_22 = arith.extui %sign3A_21 : i1 to i32
      %sign3A_23 = arith.subi %sign3A_19, %sign3A_22 : i32
      %ne3A = arith.cmpi ne, %sign3A_16, %sign3A_23 : i32
      %rem3A = arith.remsi %add3A_10, %jit3A : i32
      %ne3A_24 = arith.constant 0 : i32
      %ne3A_25 = arith.cmpi ne, %rem3A, %ne3A_24 : i32
      %and3A = arith.andi %ne3A, %ne3A_25 : i1
      %sub3A = arith.constant 1 : i32
      %sub3A_26 = arith.subi %div3A, %sub3A : i32
      %select_n3A = arith.select %and3A, %sub3A_26, %div3A : i32
      %jit3A_27 = arith.constant 8 : i32
      %eq3A = arith.constant 0 : i32
      %eq3A_28 = arith.cmpi eq, %jit3A_27, %eq3A : i32
      %jit3A_29 = arith.constant 1 : i32
      %select_n3A_30 = arith.select %eq3A_28, %jit3A_29, %jit3A_27 : i32
      %rem3A_31 = arith.remsi %add3A_10, %select_n3A_30 : i32
      %ne3A_32 = arith.constant 0 : i32
      %ne3A_33 = arith.cmpi ne, %rem3A_31, %ne3A_32 : i32
      %lt3A = arith.constant 0 : i32
      %lt3A_34 = arith.cmpi slt, %rem3A_31, %lt3A : i32
      %lt3A_35 = arith.constant 0 : i32
      %lt3A_36 = arith.cmpi slt, %select_n3A_30, %lt3A_35 : i32
      %ne3A_37 = arith.xori %lt3A_34, %lt3A_36 : i1
      %and3A_38 = arith.andi %ne3A_37, %ne3A_33 : i1
      %add3A_39 = arith.addi %rem3A_31, %select_n3A_30 : i32
      %select_n3A_40 = arith.select %and3A_38, %add3A_39, %rem3A_31 : i32
      %mul3A_41 = arith.constant 32768 : i32
      %mul3A_42 = arith.muli %select_n3A_40, %mul3A_41 : i32
      %scan3A_43 = arith.constant 0 : i32
      %scan3A_44 = arith.constant 0 : i32
      %scan3A_45 = arith.constant 512 : i32
      %scan3A_46 = arith.addi %scan3A_44, %scan3A_45 : i32
      %scan3A_47 = arith.constant 1 : i32
      scf.for %scan3A_61 = %scan3A_44 to %scan3A_46 step %scan3A_47  : i32 {
        %mul3A_62 = arith.constant 64 : i32
        %mul3A_63 = arith.muli %scan3A_61, %mul3A_62 : i32
        %swap3A = arith.index_cast %mul3A_63 : i32 to index
        %swap3A_64 = tpu.vector_load %arg6[%swap3A] {strides = array<i32>} : memref<32768xf32, #tpu.memory_space<vmem>>, vector<16xf32>,
        tpu.vector_store %arg6[%swap3A], %broadcast_in_dim3A_1 {strides = array<i32>} : memref<32768xf32, #tpu.memory_space<vmem>>, vector<16xf32>,
        %mul3A_65 = arith.constant 64 : i32
        %mul3A_66 = arith.muli %scan3A_61, %mul3A_65 : i32
        %add3A_67 = arith.constant 16 : i32
        %add3A_68 = arith.addi %mul3A_66, %add3A_67 : i32
        %swap3A_69 = arith.index_cast %add3A_68 : i32 to index
        %swap3A_70 = tpu.vector_load %arg6[%swap3A_69] {strides = array<i32>} : memref<32768xf32, #tpu.memory_space<vmem>>, vector<16xf32>,
        tpu.vector_store %arg6[%swap3A_69], %broadcast_in_dim3A_1 {strides = array<i32>} : memref<32768xf32, #tpu.memory_space<vmem>>, vector<16xf32>,
        %mul3A_71 = arith.constant 64 : i32
        %mul3A_72 = arith.muli %scan3A_61, %mul3A_71 : i32
        %add3A_73 = arith.constant 32 : i32
        %add3A_74 = arith.addi %mul3A_72, %add3A_73 : i32
        %swap3A_75 = arith.index_cast %add3A_74 : i32 to index
        %swap3A_76 = tpu.vector_load %arg6[%swap3A_75] {strides = array<i32>} : memref<32768xf32, #tpu.memory_space<vmem>>, vector<16xf32>,
        tpu.vector_store %arg6[%swap3A_75], %broadcast_in_dim3A_1 {strides = array<i32>} : memref<32768xf32, #tpu.memory_space<vmem>>, vector<16xf32>,
        %mul3A_77 = arith.constant 64 : i32
        %mul3A_78 = arith.muli %scan3A_61, %mul3A_77 : i32
        %add3A_79 = arith.constant 48 : i32
        %add3A_80 = arith.addi %mul3A_78, %add3A_79 : i32
        %swap3A_81 = arith.index_cast %add3A_80 : i32 to index
        %swap3A_82 = tpu.vector_load %arg6[%swap3A_81] {strides = array<i32>} : memref<32768xf32, #tpu.memory_space<vmem>>, vector<16xf32>,
        tpu.vector_store %arg6[%swap3A_81], %broadcast_in_dim3A_1 {strides = array<i32>} : memref<32768xf32, #tpu.memory_space<vmem>>, vector<16xf32>,
      }
      %scan3A_48 = arith.constant 512 : i32
      %mul3A_49 = arith.constant 262144 : i32
      %mul3A_50 = arith.muli %select_n3A, %mul3A_49 : i32
      %add3A_51 = arith.addi %mul3A_50, %mul3A_42 : i32
      "tpu.region"() ({
        %run_scoped3A = tpu.sem_alloc : memref<!tpu.dma_semaphore, #tpu.memory_space<semaphore_mem>>
        %dma_start3A = tpu.memref_slice %arg4[%add3A_51] : memref<50331648xi32, #tpu.memory_space<hbm>> -> memref<32768xi32, #tpu.memory_space<hbm>>
        %dma_start3A_61 = tpu.memref_slice %arg4[%add3A_51] : memref<50331648xi32, #tpu.memory_space<hbm>> -> memref<32768xi32, #tpu.memory_space<hbm>>
        tpu.enqueue_dma source(%dma_start3A_61 : memref<32768xi32, #tpu.memory_space<hbm>>) target(%arg7 : memref<32768xi32, #tpu.memory_space<vmem>>) target_semaphore(%run_scoped3A : memref<!tpu.dma_semaphore, #tpu.memory_space<semaphore_mem>>)
        %dma_wait3A = tpu.memref_slice %arg4[%add3A_51] : memref<50331648xi32, #tpu.memory_space<hbm>> -> memref<32768xi32, #tpu.memory_space<hbm>>
        %dma_wait3A_62 = tpu.memref_slice %arg4[%add3A_51] : memref<50331648xi32, #tpu.memory_space<hbm>> -> memref<32768xi32, #tpu.memory_space<hbm>>
        tpu.wait_dma2 semaphore(%run_scoped3A : memref<!tpu.dma_semaphore, #tpu.memory_space<semaphore_mem>>) src(%dma_wait3A_62 : memref<32768xi32, #tpu.memory_space<hbm>>) dst(%arg7 : memref<32768xi32, #tpu.memory_space<vmem>>)
        tpu.yield
      }) : () -> ()
      %scan3A_52 = arith.constant 0 : i32
      %scan3A_53 = arith.constant 0 : i32
      %scan3A_54 = arith.constant 8 : i32
      %scan3A_55 = arith.addi %scan3A_53, %scan3A_54 : i32
      %scan3A_56 = arith.constant 1 : i32
      scf.for %scan3A_61 = %scan3A_53 to %scan3A_55 step %scan3A_56  : i32 {
        %mul3A_62 = arith.constant 8192 : i32
        %mul3A_63 = arith.muli %scan3A_61, %mul3A_62 : i32
        "tpu.region"() ({
          %run_scoped3A = tpu.sem_alloc : memref<!tpu.dma_semaphore, #tpu.memory_space<semaphore_mem>>
          %dma_start3A = tpu.memref_slice %arg3[%select_n3A, %mul3A_63] : memref<192x65536xi32, #tpu.memory_space<hbm>> -> memref<1x8192xi32, #tpu.memory_space<hbm>>
          %dma_start3A_75 = tpu.memref_squeeze %dma_start3A : memref<1x8192xi32, #tpu.memory_space<hbm>> -> memref<8192xi32, #tpu.memory_space<hbm>>
          %dma_start3A_76 = tpu.memref_slice %arg3[%select_n3A, %mul3A_63] : memref<192x65536xi32, #tpu.memory_space<hbm>> -> memref<1x8192xi32, #tpu.memory_space<hbm>>
          %dma_start3A_77 = tpu.memref_squeeze %dma_start3A_76 : memref<1x8192xi32, #tpu.memory_space<hbm>> -> memref<8192xi32, #tpu.memory_space<hbm>>
          tpu.enqueue_dma source(%dma_start3A_77 : memref<8192xi32, #tpu.memory_space<hbm>>) target(%arg8 : memref<8192xi32, #tpu.memory_space<vmem>>) target_semaphore(%run_scoped3A : memref<!tpu.dma_semaphore, #tpu.memory_space<semaphore_mem>>)
          %dma_wait3A = tpu.memref_slice %arg3[%select_n3A, %mul3A_63] : memref<192x65536xi32, #tpu.memory_space<hbm>> -> memref<1x8192xi32, #tpu.memory_space<hbm>>
          %dma_wait3A_78 = tpu.memref_squeeze %dma_wait3A : memref<1x8192xi32, #tpu.memory_space<hbm>> -> memref<8192xi32, #tpu.memory_space<hbm>>
          %dma_wait3A_79 = tpu.memref_slice %arg3[%select_n3A, %mul3A_63] : memref<192x65536xi32, #tpu.memory_space<hbm>> -> memref<1x8192xi32, #tpu.memory_space<hbm>>
          %dma_wait3A_80 = tpu.memref_squeeze %dma_wait3A_79 : memref<1x8192xi32, #tpu.memory_space<hbm>> -> memref<8192xi32, #tpu.memory_space<hbm>>
          tpu.wait_dma2 semaphore(%run_scoped3A : memref<!tpu.dma_semaphore, #tpu.memory_space<semaphore_mem>>) src(%dma_wait3A_80 : memref<8192xi32, #tpu.memory_space<hbm>>) dst(%arg8 : memref<8192xi32, #tpu.memory_space<vmem>>)
          tpu.yield
        }) : () -> ()
        "tpu.region"() ({
          %run_scoped3A = tpu.sem_alloc : memref<!tpu.dma_semaphore, #tpu.memory_space<semaphore_mem>>
          %dma_start3A = tpu.memref_slice %arg2[%select_n3A, %mul3A_63] : memref<192x65536xf32, #tpu.memory_space<hbm>> -> memref<1x8192xf32, #tpu.memory_space<hbm>>
          %dma_start3A_75 = tpu.memref_squeeze %dma_start3A : memref<1x8192xf32, #tpu.memory_space<hbm>> -> memref<8192xf32, #tpu.memory_space<hbm>>
          %dma_start3A_76 = tpu.memref_slice %arg2[%select_n3A, %mul3A_63] : memref<192x65536xf32, #tpu.memory_space<hbm>> -> memref<1x8192xf32, #tpu.memory_space<hbm>>
          %dma_start3A_77 = tpu.memref_squeeze %dma_start3A_76 : memref<1x8192xf32, #tpu.memory_space<hbm>> -> memref<8192xf32, #tpu.memory_space<hbm>>
          tpu.enqueue_dma source(%dma_start3A_77 : memref<8192xf32, #tpu.memory_space<hbm>>) target(%arg9 : memref<8192xf32, #tpu.memory_space<vmem>>) target_semaphore(%run_scoped3A : memref<!tpu.dma_semaphore, #tpu.memory_space<semaphore_mem>>)
          %dma_wait3A = tpu.memref_slice %arg2[%select_n3A, %mul3A_63] : memref<192x65536xf32, #tpu.memory_space<hbm>> -> memref<1x8192xf32, #tpu.memory_space<hbm>>
          %dma_wait3A_78 = tpu.memref_squeeze %dma_wait3A : memref<1x8192xf32, #tpu.memory_space<hbm>> -> memref<8192xf32, #tpu.memory_space<hbm>>
          %dma_wait3A_79 = tpu.memref_slice %arg2[%select_n3A, %mul3A_63] : memref<192x65536xf32, #tpu.memory_space<hbm>> -> memref<1x8192xf32, #tpu.memory_space<hbm>>
          %dma_wait3A_80 = tpu.memref_squeeze %dma_wait3A_79 : memref<1x8192xf32, #tpu.memory_space<hbm>> -> memref<8192xf32, #tpu.memory_space<hbm>>
          tpu.wait_dma2 semaphore(%run_scoped3A : memref<!tpu.dma_semaphore, #tpu.memory_space<semaphore_mem>>) src(%dma_wait3A_80 : memref<8192xf32, #tpu.memory_space<hbm>>) dst(%arg9 : memref<8192xf32, #tpu.memory_space<vmem>>)
          tpu.yield
        }) : () -> ()
        %mul3A_64 = arith.constant 65536 : i32
        %mul3A_65 = arith.muli %select_n3A, %mul3A_64 : i32
        %add3A_66 = arith.addi %mul3A_65, %mul3A_63 : i32
        %add3A_67 = arith.constant 1 : i32
        %add3A_68 = arith.addi %add3A_66, %add3A_67 : i32
        %scan3A_69 = arith.constant 0 : i32
        %scan3A_70 = arith.constant 0 : i32
        %scan3A_71 = arith.constant 128 : i32
        %scan3A_72 = arith.addi %scan3A_70, %scan3A_71 : i32
        %scan3A_73 = arith.constant 1 : i32
        scf.for %scan3A_75 = %scan3A_70 to %scan3A_72 step %scan3A_73  : i32 {
          %mul3A_76 = arith.constant 64 : i32
          %mul3A_77 = arith.muli %scan3A_75, %mul3A_76 : i32
          %add3A_78 = arith.constant 0 : i32
          %add3A_79 = arith.addi %mul3A_77, %add3A_78 : i32
          %get3A = arith.index_cast %add3A_79 : i32 to index
          %get3A_80 = tpu.vector_load %arg8[%get3A] {strides = array<i32>} : memref<8192xi32, #tpu.memory_space<vmem>>, vector<16xi32>,
          %get3A_81 = arith.index_cast %add3A_79 : i32 to index
          %get3A_82 = tpu.vector_load %arg9[%get3A_81] {strides = array<i32>} : memref<8192xf32, #tpu.memory_space<vmem>>, vector<16xf32>,
          %sub3A_83 = vector.broadcast %mul3A_42 : i32 to vector<16xi32>
          %sub3A_84 = arith.subi %get3A_80, %sub3A_83 : vector<16xi32>
          %ge3A = arith.constant 0 : i32
          %ge3A_85 = vector.broadcast %ge3A : i32 to vector<16xi32>
          %ge3A_86 = arith.cmpi sge, %sub3A_84, %ge3A_85 : vector<16xi32>
          %lt3A_87 = arith.constant 32768 : i32
          %lt3A_88 = vector.broadcast %lt3A_87 : i32 to vector<16xi32>
          %lt3A_89 = arith.cmpi slt, %sub3A_84, %lt3A_88 : vector<16xi32>
          %and3A_90 = arith.andi %ge3A_86, %lt3A_89 : vector<16xi1>
          %max3A = arith.constant 0 : i32
          %max3A_91 = vector.broadcast %max3A : i32 to vector<16xi32>
          %max3A_92 = arith.maxsi %sub3A_84, %max3A_91 : vector<16xi32>
          %min3A = arith.constant 32767 : i32
          %min3A_93 = vector.broadcast %min3A : i32 to vector<16xi32>
          %min3A_94 = arith.minsi %max3A_92, %min3A_93 : vector<16xi32>
          %gather3A = tpu.vector_load_idx %arg7[%min3A_94] masked %and3A_90 : memref<32768xi32, #tpu.memory_space<vmem>>[vector<16xi32>], vector<16xi32>, vector<16xi1>
          %add3A_95 = arith.addi %add3A_68, %add3A_79 : i32
          %add3A_96 = vector.broadcast %add3A_95 : i32 to vector<16xi32>
          %add3A_97 = arith.addi %add3A_96, %iota3A : vector<16xi32>
          %eq3A_98 = arith.cmpi eq, %gather3A, %add3A_97 : vector<16xi32>
          %and3A_99 = arith.andi %and3A_90, %eq3A_98 : vector<16xi1>
          tpu.vector_store_idx %arg6[%min3A_94], %get3A_82 masked %and3A_99 : memref<32768xf32, #tpu.memory_space<vmem>>[vector<16xi32>], vector<16xf32>, vector<16xi1>
          %mul3A_100 = arith.constant 64 : i32
          %mul3A_101 = arith.muli %scan3A_75, %mul3A_100 : i32
          %add3A_102 = arith.constant 16 : i32
          %add3A_103 = arith.addi %mul3A_101, %add3A_102 : i32
          %get3A_104 = arith.index_cast %add3A_103 : i32 to index
          %get3A_105 = tpu.vector_load %arg8[%get3A_104] {strides = array<i32>} : memref<8192xi32, #tpu.memory_space<vmem>>, vector<16xi32>,
          %get3A_106 = arith.index_cast %add3A_103 : i32 to index
          %get3A_107 = tpu.vector_load %arg9[%get3A_106] {strides = array<i32>} : memref<8192xf32, #tpu.memory_space<vmem>>, vector<16xf32>,
          %sub3A_108 = vector.broadcast %mul3A_42 : i32 to vector<16xi32>
          %sub3A_109 = arith.subi %get3A_105, %sub3A_108 : vector<16xi32>
          %ge3A_110 = arith.constant 0 : i32
          %ge3A_111 = vector.broadcast %ge3A_110 : i32 to vector<16xi32>
          %ge3A_112 = arith.cmpi sge, %sub3A_109, %ge3A_111 : vector<16xi32>
          %lt3A_113 = arith.constant 32768 : i32
          %lt3A_114 = vector.broadcast %lt3A_113 : i32 to vector<16xi32>
          %lt3A_115 = arith.cmpi slt, %sub3A_109, %lt3A_114 : vector<16xi32>
          %and3A_116 = arith.andi %ge3A_112, %lt3A_115 : vector<16xi1>
          %max3A_117 = arith.constant 0 : i32
          %max3A_118 = vector.broadcast %max3A_117 : i32 to vector<16xi32>
          %max3A_119 = arith.maxsi %sub3A_109, %max3A_118 : vector<16xi32>
          %min3A_120 = arith.constant 32767 : i32
          %min3A_121 = vector.broadcast %min3A_120 : i32 to vector<16xi32>
          %min3A_122 = arith.minsi %max3A_119, %min3A_121 : vector<16xi32>
          %gather3A_123 = tpu.vector_load_idx %arg7[%min3A_122] masked %and3A_116 : memref<32768xi32, #tpu.memory_space<vmem>>[vector<16xi32>], vector<16xi32>, vector<16xi1>
          %add3A_124 = arith.addi %add3A_68, %add3A_103 : i32
          %add3A_125 = vector.broadcast %add3A_124 : i32 to vector<16xi32>
          %add3A_126 = arith.addi %add3A_125, %iota3A : vector<16xi32>
          %eq3A_127 = arith.cmpi eq, %gather3A_123, %add3A_126 : vector<16xi32>
          %and3A_128 = arith.andi %and3A_116, %eq3A_127 : vector<16xi1>
          tpu.vector_store_idx %arg6[%min3A_122], %get3A_107 masked %and3A_128 : memref<32768xf32, #tpu.memory_space<vmem>>[vector<16xi32>], vector<16xf32>, vector<16xi1>
          %mul3A_129 = arith.constant 64 : i32
          %mul3A_130 = arith.muli %scan3A_75, %mul3A_129 : i32
          %add3A_131 = arith.constant 32 : i32
          %add3A_132 = arith.addi %mul3A_130, %add3A_131 : i32
          %get3A_133 = arith.index_cast %add3A_132 : i32 to index
          %get3A_134 = tpu.vector_load %arg8[%get3A_133] {strides = array<i32>} : memref<8192xi32, #tpu.memory_space<vmem>>, vector<16xi32>,
          %get3A_135 = arith.index_cast %add3A_132 : i32 to index
          %get3A_136 = tpu.vector_load %arg9[%get3A_135] {strides = array<i32>} : memref<8192xf32, #tpu.memory_space<vmem>>, vector<16xf32>,
          %sub3A_137 = vector.broadcast %mul3A_42 : i32 to vector<16xi32>
          %sub3A_138 = arith.subi %get3A_134, %sub3A_137 : vector<16xi32>
          %ge3A_139 = arith.constant 0 : i32
          %ge3A_140 = vector.broadcast %ge3A_139 : i32 to vector<16xi32>
          %ge3A_141 = arith.cmpi sge, %sub3A_138, %ge3A_140 : vector<16xi32>
          %lt3A_142 = arith.constant 32768 : i32
          %lt3A_143 = vector.broadcast %lt3A_142 : i32 to vector<16xi32>
          %lt3A_144 = arith.cmpi slt, %sub3A_138, %lt3A_143 : vector<16xi32>
          %and3A_145 = arith.andi %ge3A_141, %lt3A_144 : vector<16xi1>
          %max3A_146 = arith.constant 0 : i32
          %max3A_147 = vector.broadcast %max3A_146 : i32 to vector<16xi32>
          %max3A_148 = arith.maxsi %sub3A_138, %max3A_147 : vector<16xi32>
          %min3A_149 = arith.constant 32767 : i32
          %min3A_150 = vector.broadcast %min3A_149 : i32 to vector<16xi32>
          %min3A_151 = arith.minsi %max3A_148, %min3A_150 : vector<16xi32>
          %gather3A_152 = tpu.vector_load_idx %arg7[%min3A_151] masked %and3A_145 : memref<32768xi32, #tpu.memory_space<vmem>>[vector<16xi32>], vector<16xi32>, vector<16xi1>
          %add3A_153 = arith.addi %add3A_68, %add3A_132 : i32
          %add3A_154 = vector.broadcast %add3A_153 : i32 to vector<16xi32>
          %add3A_155 = arith.addi %add3A_154, %iota3A : vector<16xi32>
          %eq3A_156 = arith.cmpi eq, %gather3A_152, %add3A_155 : vector<16xi32>
          %and3A_157 = arith.andi %and3A_145, %eq3A_156 : vector<16xi1>
          tpu.vector_store_idx %arg6[%min3A_151], %get3A_136 masked %and3A_157 : memref<32768xf32, #tpu.memory_space<vmem>>[vector<16xi32>], vector<16xf32>, vector<16xi1>
          %mul3A_158 = arith.constant 64 : i32
          %mul3A_159 = arith.muli %scan3A_75, %mul3A_158 : i32
          %add3A_160 = arith.constant 48 : i32
          %add3A_161 = arith.addi %mul3A_159, %add3A_160 : i32
          %get3A_162 = arith.index_cast %add3A_161 : i32 to index
          %get3A_163 = tpu.vector_load %arg8[%get3A_162] {strides = array<i32>} : memref<8192xi32, #tpu.memory_space<vmem>>, vector<16xi32>,
          %get3A_164 = arith.index_cast %add3A_161 : i32 to index
          %get3A_165 = tpu.vector_load %arg9[%get3A_164] {strides = array<i32>} : memref<8192xf32, #tpu.memory_space<vmem>>, vector<16xf32>,
          %sub3A_166 = vector.broadcast %mul3A_42 : i32 to vector<16xi32>
          %sub3A_167 = arith.subi %get3A_163, %sub3A_166 : vector<16xi32>
          %ge3A_168 = arith.constant 0 : i32
          %ge3A_169 = vector.broadcast %ge3A_168 : i32 to vector<16xi32>
          %ge3A_170 = arith.cmpi sge, %sub3A_167, %ge3A_169 : vector<16xi32>
          %lt3A_171 = arith.constant 32768 : i32
          %lt3A_172 = vector.broadcast %lt3A_171 : i32 to vector<16xi32>
          %lt3A_173 = arith.cmpi slt, %sub3A_167, %lt3A_172 : vector<16xi32>
          %and3A_174 = arith.andi %ge3A_170, %lt3A_173 : vector<16xi1>
          %max3A_175 = arith.constant 0 : i32
          %max3A_176 = vector.broadcast %max3A_175 : i32 to vector<16xi32>
          %max3A_177 = arith.maxsi %sub3A_167, %max3A_176 : vector<16xi32>
          %min3A_178 = arith.constant 32767 : i32
          %min3A_179 = vector.broadcast %min3A_178 : i32 to vector<16xi32>
          %min3A_180 = arith.minsi %max3A_177, %min3A_179 : vector<16xi32>
          %gather3A_181 = tpu.vector_load_idx %arg7[%min3A_180] masked %and3A_174 : memref<32768xi32, #tpu.memory_space<vmem>>[vector<16xi32>], vector<16xi32>, vector<16xi1>
          %add3A_182 = arith.addi %add3A_68, %add3A_161 : i32
          %add3A_183 = vector.broadcast %add3A_182 : i32 to vector<16xi32>
          %add3A_184 = arith.addi %add3A_183, %iota3A : vector<16xi32>
          %eq3A_185 = arith.cmpi eq, %gather3A_181, %add3A_184 : vector<16xi32>
          %and3A_186 = arith.andi %and3A_174, %eq3A_185 : vector<16xi1>
          tpu.vector_store_idx %arg6[%min3A_180], %get3A_165 masked %and3A_186 : memref<32768xf32, #tpu.memory_space<vmem>>[vector<16xi32>], vector<16xf32>, vector<16xi1>
        }
        %scan3A_74 = arith.constant 128 : i32
      }
      %scan3A_57 = arith.constant 8 : i32
      %mul3A_58 = arith.constant 262144 : i32
      %mul3A_59 = arith.muli %select_n3A, %mul3A_58 : i32
      %add3A_60 = arith.addi %mul3A_59, %mul3A_42 : i32
      "tpu.region"() ({
        %run_scoped3A = tpu.sem_alloc : memref<!tpu.dma_semaphore, #tpu.memory_space<semaphore_mem>>
        %dma_start3A = tpu.memref_slice %arg5[%add3A_60] : memref<50331648xf32, #tpu.memory_space<hbm>> -> memref<32768xf32, #tpu.memory_space<hbm>>
        %dma_start3A_61 = tpu.memref_slice %arg5[%add3A_60] : memref<50331648xf32, #tpu.memory_space<hbm>> -> memref<32768xf32, #tpu.memory_space<hbm>>
        tpu.enqueue_dma source(%arg6 : memref<32768xf32, #tpu.memory_space<vmem>>) target(%dma_start3A_61 : memref<32768xf32, #tpu.memory_space<hbm>>) target_semaphore(%run_scoped3A : memref<!tpu.dma_semaphore, #tpu.memory_space<semaphore_mem>>)
        %dma_wait3A = tpu.memref_slice %arg5[%add3A_60] : memref<50331648xf32, #tpu.memory_space<hbm>> -> memref<32768xf32, #tpu.memory_space<hbm>>
        %dma_wait3A_62 = tpu.memref_slice %arg5[%add3A_60] : memref<50331648xf32, #tpu.memory_space<hbm>> -> memref<32768xf32, #tpu.memory_space<hbm>>
        tpu.wait_dma2 semaphore(%run_scoped3A : memref<!tpu.dma_semaphore, #tpu.memory_space<semaphore_mem>>) src(%arg6 : memref<32768xf32, #tpu.memory_space<vmem>>) dst(%dma_wait3A_62 : memref<32768xf32, #tpu.memory_space<hbm>>)
        tpu.yield
      }) : () -> ()
    }
    %scan3A_6 = arith.constant 48 : i32
    return
  }
}

</mosaic_0001>

<sc_bundles>
// kernel: _unpool_materialize.3.cloned.1.call-start
scs
__scs_entry_jumppad:
0x0: {  	(pc) =	sbr.rel $0x88, $3  }
0x1: {  	(tag) =	ssettag $0x0;
	lr =	simm.s32 $0x1  }
0x2: {  	[smem:$0x3F9E] =	sst lr;
	_ =	strace $0xD0000000  }
0x3: {  	_ = 	snop  }
0x4: {  	_ = 	snop  }
0x5: {  	_ = 	snop  }
0x6: {  	_ = 	snop  }
0x7: {  	_ = 	snop  }
__scs_overlays_trampoline_lowered:
0x8: {  	[smem:$0x3FAD] =	sst s0  }
0x9: {  	[smem:$0x3FAE] =	sst s1  }
0xa: {  	[smem:$0x3FAF] =	sst s2  }
0xb: {  	[smem:$0x3FB0] =	sst s3  }
0xc: {  	[smem:$0x3FB1] =	sst s4  }
0xd: {  	[smem:$0x3FB2] =	sst s5  }
0xe: {  	[smem:$0x3FB3] =	sst s6  }
0xf: {  	[smem:$0x3FB4] =	sst s7  }
0x10: {  	[smem:$0x3FB5] =	sst s8  }
0x11: {  	[smem:$0x3FB6] =	sst s9;
	s0 =	simm.s32 @!p0 $0x0  }
0x12: {  	s1 =	sld [smem:$0x3F9C];
	s0 =	simm.s32 @p0 $0x1  }
0x13: {  	[smem:$0x3FB7] =	sst s0;
	s0 =	simm.s32 @!p1 $0x0  }
0x14: {  	s2 =	sld [smem:$0x3F9B];
	s0 =	simm.s32 @p1 $0x1  }
0x15: {  	[smem:$0x3FB8] =	sst s0;
	s0 =	simm.s32 @!p2 $0x0  }
0x16: {  	s3 =	sld [smem:$0x3FDB];
	s0 =	simm.s32 @p2 $0x1  }
0x17: {  	s4 =	simm.s32 $0x1BF5;
	[smem:$0x3FBA] =	sst s0  }
0x18: {  	s0 =	sld [smem:$0x3F9D];
	_ =	swait.ge [sflag:s4], $0x0  }
0x19: {  	s7 =	sld [smem:$0x3F9E]  }
0x1a: {  	s8 =	sadd.s32 $0xFFFFE003, lr  }
0x1b: {  	s9 =	sadd.s32 $0xFFFFFEF7, lr;
	s5 =	simm.s32 $0xFFFFFFFF;
	p2 =	slt.u32 s8, $0xFFFFF086  }
0x1c: {  	p1 =	slt.u32 s9, $0xF7A;
	s5 =	simm.s32 @!p2 $0x0  }
0x1d: {  	s5 =	simm.s32 @p1 $0x1;
	p0 =	seq.s32 s7, s2  }
0x1e: {  	s7 =	smul.u32 @!p0 $0xF7A, s2;
	p2 =	seq.s32 @!p0 s5, $0x0  }
0x1f: {  	s9 =	smul.u32 $0xF7A, s1;
	s8 =	simm.s32 @!p0 $0x1BF5;
	p2 =	por !p2, p0  }
0x20: {  	[sflag:s8] =	ssyncset.s32 @!p0 $0xFFFFF086;
	s6 =	sadd.s32 @!p0 s3, s7;
	s7 =	simm.s32 @!p0 $0x108  }
0x21: {  	s3 =	sadd.s32 s3, s9;
	s6 =	sadd.s32 @!p0 $0x88, s6;
	s7 =	simm.s32 @p2 $0x1082  }
0x22: {  	[simem:s7], [sflag:s8] =	dma.local @!p0 [hbm:s6], $0xF7A  }
0x23: {  	s9 =	sor.u32 $0xD0000000, s2;
	s6 =	simm.s32 $0x108;
	_ =	swait.ge @!p0 [sflag:s8], $0x0  }
0x24: {  	s3 =	sadd.s32 $0x88, s3;
	s6 =	simm.s32 @!p1 $0x1082;
	[sflag:s4] =	ssyncset.s32 $0xFFFFF086  }
0x25: {  	[simem:s6], [sflag:s4] =	dma.local [hbm:s3], $0xF7A  }
0x26: {  	[smem:$0x3F9E] =	sst s1;
	(tag) =	ssettag s2;
	_ =	strace s9  }
0x27: {  	s1 =	sld [smem:$0x3FAE]  }
0x28: {  	s2 =	sld [smem:$0x3FAF]  }
0x29: {  	s4 =	sld [smem:$0x3FB1]  }
0x2a: {  	p0 =	seq.s32 s5, $0x0;
	s5 =	sld [smem:$0x3FB2]  }
0x2b: {  	s6 =	sld [smem:$0x3FB3]  }
0x2c: {  	s7 =	sld [smem:$0x3FB4]  }
0x2d: {  	s3 =	simm.s32 $0x108;
	s8 =	sld [smem:$0x3FB5]  }
0x2e: {  	s3 =	simm.s32 @!p0 $0x1082;
	s9 =	sld [smem:$0x3FB6]  }
0x2f: {  	lr =	sadd.s32 s0, s3;
	s0 =	sld [smem:$0x3FAD]  }
0x30: {  	s3 =	sld [smem:$0x3FB0]  }
0x31: {  	[smem:$0x3FB9] =	sst s10  }
0x32: {  	s10 =	sld [smem:$0x3FB7];
	_ =	sdelay $0x3  }
0x33: {  	p0 =	seq.s32 s10, $0x1;
	s10 =	sld [smem:$0x3FB9];
	_ =	sdelay $0x3  }
0x34: {  	[smem:$0x3FB9] =	sst s10  }
0x35: {  	s10 =	sld [smem:$0x3FB8];
	_ =	sdelay $0x3  }
0x36: {  	p1 =	seq.s32 s10, $0x1;
	s10 =	sld [smem:$0x3FB9];
	_ =	sdelay $0x3  }
0x37: {  	[smem:$0x3FB9] =	sst s10  }
0x38: {  	s10 =	sld [smem:$0x3FBA]  }
0x39: {  	_ = 	snop;
	(pc) =	sbr.ind lr, $3  }
0x3a: {  	_ = 	snop  }
0x3b: {  	_ = 	snop  }
0x3c: {  	p2 =	seq.s32 s10, $0x1;
	s10 =	sld [smem:$0x3FB9]  }
0x3d: {  	_ =	shalt  }
0x3e: {  	_ =	shalt  }
0x3f: {  	_ =	shalt  }
0x40: {  	_ =	shalt  }
0x41: {  	_ =	shalt  }
0x42: {  	_ =	shalt  }
0x43: {  	_ =	shalt  }
0x44: {  	_ =	shalt  }
0x45: {  	_ =	shalt  }
0x46: {  	_ =	shalt  }
0x47: {  	_ =	shalt  }
0x48: {  	_ =	shalt  }
0x49: {  	_ =	shalt  }
0x4a: {  	_ =	shalt  }
0x4b: {  	_ =	shalt  }
0x4c: {  	_ =	shalt  }
0x4d: {  	_ =	shalt  }
0x4e: {  	_ =	shalt  }
0x4f: {  	_ =	shalt  }
0x50: {  	_ =	shalt  }
0x51: {  	_ =	shalt  }
0x52: {  	_ =	shalt  }
0x53: {  	_ =	shalt  }
0x54: {  	_ =	shalt  }
0x55: {  	_ =	shalt  }
0x56: {  	_ =	shalt  }
0x57: {  	_ =	shalt  }
0x58: {  	_ =	shalt  }
0x59: {  	_ =	shalt  }
0x5a: {  	_ =	shalt  }
0x5b: {  	_ =	shalt  }
0x5c: {  	_ =	shalt  }
0x5d: {  	_ =	shalt  }
0x5e: {  	_ =	shalt  }
0x5f: {  	_ =	shalt  }
0x60: {  	_ =	shalt  }
0x61: {  	_ =	shalt  }
0x62: {  	_ =	shalt  }
0x63: {  	_ =	shalt  }
0x64: {  	_ =	shalt  }
0x65: {  	_ =	shalt  }
0x66: {  	_ =	shalt  }
0x67: {  	_ =	shalt  }
0x68: {  	_ =	shalt  }
0x69: {  	_ =	shalt  }
0x6a: {  	_ =	shalt  }
0x6b: {  	_ =	shalt  }
0x6c: {  	_ =	shalt  }
0x6d: {  	_ =	shalt  }
0x6e: {  	_ =	shalt  }
0x6f: {  	_ =	shalt  }
0x70: {  	_ =	shalt  }
0x71: {  	_ =	shalt  }
0x72: {  	_ =	shalt  }
0x73: {  	_ =	shalt  }
0x74: {  	_ =	shalt  }
0x75: {  	_ =	shalt  }
0x76: {  	_ =	shalt  }
0x77: {  	_ =	shalt  }
0x78: {  	_ =	shalt  }
0x79: {  	_ =	shalt  }
0x7a: {  	_ =	shalt  }
0x7b: {  	_ =	shalt  }
0x7c: {  	_ =	shalt  }
0x7d: {  	_ =	shalt  }
0x7e: {  	_ =	shalt  }
0x7f: {  	_ =	shalt  }
0x80: {  	_ =	shalt  }
0x81: {  	_ =	shalt  }
0x82: {  	_ =	shalt  }
0x83: {  	_ =	shalt  }
0x84: {  	_ =	shalt  }
0x85: {  	_ =	shalt  }
0x86: {  	_ =	shalt  }
0x87: {  	_ =	shalt  }
.Lfunc_end0:
.L_simem_size_0:
called_computation_lowered:
.L_overlay_start_0:
0x88: {  	s2 =	sld [smem:$0x3FD9]  }
0x89: {  	s3 =	sld [smem:$0x3FFE];
	_ =	sdelay $0x1  }
0x8a: {  	s1 =	srdreg.scid  }
0x8b: {  	s0 =	sand.u32 $0x1, s1  }
0x8c: {  	s18 =	sshll.u32 s0, $0xA;
	s2 =	sadd.s32 s3, s2  }
0x8d: {  	s2 =	sadd.s32 s2, s18  }
0x8e: {  	[smem:$0x3FC5] =	sst s2  }
0x8f: {  	_ = 	snop  }
0x90: {  	s2 =	sld [smem:$0x3FC9]  }
0x91: {  	s19 =	sld [smem:$0x3FC8]  }
0x92: {  	s4 =	sld [smem:$0x3FC7]  }
0x93: {  	s5 =	sld [smem:$0x3FD0];
	(tm) =	ssettm $0x1  }
0x94: {  	s6 =	sld [smem:$0x3FFB];
	_ =	sdelay $0x3  }
0x95: {  	_ =	strace s6  }
0x96: {  	s6 =	sld [smem:$0x3FFC];
	_ =	sdelay $0x3  }
0x97: {  	_ =	strace s6  }
0x98: {  	s6 =	sld [smem:$0x3FFD];
	_ =	sdelay $0x3  }
0x99: {  	_ =	strace s6  }
0x9a: {  	_ =	strace $0x8FFFFFFF  }
0x9b: {  	s20 =	sld [smem:$0x3FDB];
	_ =	sdelay $0x1  }
0x9c: {  	s7 =	simm.s32 $_scs_section_size  }
0x9d: {  	s8 =	simm.s32 $_size__tile_overlayer_lowered;
	s9 =	simm.s32 $_tile_overlayer_lowered  }
0x9e: {  	s23 =	simm.s32 $0x1BFF;
	s22 =	sshll.u32 s9, $0x1;
	s6 =	sadd.s32 s7, s20  }
0x9f: {  	s10 =	simm.s32 $0x0;
	s21 =	sshll.u32 s8, $0x1;
	s8 =	sadd.s32 s22, s6  }
0xa0: {  	[timem:s10], [sflag:s23] =	dma.local [hbm:s8], s21  }
0xa1: {  	_ =	swait.ge [sflag:s23], s21  }
0xa2: {  	s7 =	ssub.s32 $0x0, s21;
	[sflag:s23] =	ssyncset.done $0x0  }
0xa3: {  	[sflag:s23] =	ssyncadd.s32 s7;
	_ =	sdelay $0x1  }
0xa4: {  	s24 =	simm.s32 $0x1B8B  }
0xa5: {  	_ =	swait.ge [sflag:s24], $0x1  }
0xa6: {  	[sflag:s24] =	ssyncset.done $0x0  }
0xa7: {  	s25 =	simm.s32 $0x1B8E;
	[sflag:s24] =	ssyncadd.s32 $0xFFFFFFFF  }
0xa8: {  	s26 =	simm.s32 $execute0_lowered;
	[smem:$0x3FD2] =	sst s25  }
0xa9: {  	s7 =	sshll.u32 s26, $0x1;
	_ =	strace $0x80000046;
	[dreg:$0x1] =	wrdreg $0xFFFFFFFF  }
0xaa: {  	s28 =	simm.s32 $_size_execute0_lowered;
	s6 =	sadd.s32 s6, s7;
	[dreg:$0x0] =	wrdreg $0x0  }
0xab: {  	s7 =	sshll.u32 s28, $0x1;
	[dreg:$0x2] =	wrdreg s6  }
0xac: {  	[dreg:$0x3] =	wrdreg s7  }
0xad: {  	[dreg:$0x4] =	wrdreg $0xC0  }
0xae: {  	_ =	task [dreg:s10], $0x5FFFF  }
0xaf: {  	[dreg:$0x1] =	wrdreg $0xFFFFFFFF  }
0xb0: {  	[dreg:$0x0] =	wrdreg $0x60  }
0xb1: {  	[dreg:$0x2] =	wrdreg s2  }
0xb2: {  	[dreg:$0x3] =	wrdreg s19  }
0xb3: {  	[dreg:$0x4] =	wrdreg s4  }
0xb4: {  	[dreg:$0x5] =	wrdreg s5  }
0xb5: {  	[dreg:$0x6] =	wrdreg $0x9  }
0xb6: {  	_ =	task.clear_ibuf [dreg:s10], $0x7FFFF;
	_ =	strace $0x90000046  }
0xb7: {  	s29 =	simm.s32 $0x9;
	_ =	strace $0x80000048  }
0xb8: {  	_ =	swait.ge [sflag:s29], $0x1  }
0xb9: {  	[sflag:s29] =	ssyncadd.s32 $0xFFFFFFFF  }
0xba: {  	_ =	strace $0x90000048  }
0xbb: {  	_ =	sfence  }
0xbc: {  	s30 =	sld [smem:$0x0];
	_ =	sdelay $0x2  }
0xbd: {  	s31 =	sshll.u32 s1, $0xD;
	s1 =	sshrl.u32 s1, $0x2  }
0xbe: {  	s3 =	sand.u32 $0x4000, s31;
	s1 =	sadd.s32 s1, s30  }
0xbf: {  	s0 =	sor.u32 s3, s0;
	s1 =	sshll.u32 s1, $0x11  }
0xc0: {  	s0 =	sor.u32 s1, s0  }
0xc1: {  	s0 =	sadd.s32 $0x8F2B, s0  }
0xc2: {  	[sflag:s0] =	ssyncadd.remote.s32 $0x1  }
0xc3: {  	_ =	sfence.sel $0xFFFF  }
0xc4: {  	[dreg:$0x0] =	wrdreg $0xFFFFFFFF;
	(pc) =	sbr.abs _section_cstart, $3  }
0xc5: {  	[dreg:$0x1] =	wrdreg $0xFFFFFFFF  }
0xc6: {  	_ =	task.clear_ibuf [dreg:s10], $0x2FFFF;
	_ =	strace $0x9FFFFFFF  }
0xc7: {  	(tm) =	ssettm $0x7FFFFFFF  }
tec
execute0_lowered:
.L_overlay_start_1:
0x0: {  	(tag) =	ssettag $0x1  }
0x1: {  	s1 =	rddreg [dreg:$0x0]  }
0x2: {  	s2 =	rddreg [dreg:$0x1]  }
0x3: {  	s4 =	rddreg [dreg:$0x2]  }
0x4: {  	s5 =	rddreg [dreg:$0x3]  }
0x5: {  	s0 =	rddreg [dreg:$0x4]  }
0x6: {  	s7 =	srdreg.scid;
	s3 =	stileid.u32  }
0x7: {  	s6 =	simm.s32 $0x0;
	s11 =	simm.s32 $0x8000;
	s12 =	simm.s32 $0x1  }
0x8: {  	s13 =	simm.s32 $0x80;
	s14 =	simm.s32 $0x400;
	s15 =	simm.s32 $0x10000  }
0x9: {  	s16 =	simm.s32 $0x12000;
	s8 =	sand.u32 $0x1, s7;
	s7 =	sshll.u32 s3, $0x1  }
0xa: {  	s17 =	simm.s32 $0x0;
	s9 =	ssub.s32 $0x2, s8;
	s8 =	sor.u32 s8, s7  }
0xb: {  	[smem:$0x7FF] =	sst s6;
	s10 =	sshrl.u32 s9, $0x1;
	s8 =	sshll.u32 s8, $0xF  }
0xc: {  	s31 =	sshll.u32 s3, $0xE;
	s9 =	ssub.s32 s9, s10;
	s8 =	sand.u32 $0x38000, s8  }
0xd: {  	v1 =	vimm.f32 $0.0e+00;
	v2 =	vlaneseq.u32;
	_ =	strace $0x80000047;
	s10 =	sand.u32 $0x30000, s31;
	s9 =	smax.u32 s9, $0x1;
	v0 =	vmov s8  }
.LBB2_1:
0xe: {  	s18 =	smov.u32 s10;
	s19 =	simm.s32 $0x0  }
.LBB2_2:
0xf: {  	s20 =	simm.s32 $0x100;
	s21 =	simm.s32 $0x0  }
.LBB2_3:
0x10: {  	p0 =	sne.s32 s20, $0x1FF00;
	[tilespmem:s21+$0x30] =	vst v1;
	s22 =	smov.u32 s20;
	s20 =	sadd.s32 $0x100, s20  }
.Ltmp0:
0x11: {  	[tilespmem:s21+$0x20] =	vst v1;
	(pc) =	sbr.rel @p0 .LBB2_3-.Ltmp0, $3  }
0x12: {  	[tilespmem:s21+$0x0] =	vst v1  }
0x13: {  	[tilespmem:s21+$0x10] =	vst v1;
	_ =	sdelay $0x1  }
0x14: {  	s21 =	sshra.s32 s22, $0x2  }
0x15: {  	s20 =	sshll.u32 s19, $0x5  }
0x16: {  	s22 =	sor.u32 s7, s20  }
0x17: {  	s23 =	sshrl.u32 s22, $0x3  }
0x18: {  	[tilespmem:s21+$0x30] =	vst v1;
	s30 =	sshll.u32 s23, $0x12  }
0x19: {  	[tilespmem:s21+$0x20] =	vst v1;
	s20 =	sor.u32 s8, s30  }
0x1a: {  	[tilespmem:s21+$0x0] =	vst v1;
	s20 =	sshrl.u32 s20, $0x3  }
0x1b: {  	[tilespmem:s21+$0x10] =	vst v1;
	s21 =	simm.s32 $0x0;
	s24 =	sadd.s32 s4, s20  }
0x1c: {  	[tilespmem:s11], [sflag:$0x1] =	stream.linear.gather [hbm4b:s24+s21], $0x8000, $0x38;
	[tilespmem:$0x14000] =	vst v63  }
0x1d: {  	_ =	swait.ge [sflag:s12], $0x8000  }
0x1e: {  	s31 =	sshll.u32 s22, $0x1;
	s22 =	sand.u32 $0xF8, s23;
	[sflag:s12] =	ssyncset.done $0x0  }
0x1f: {  	s23 =	sand.u32 $0x70, s31;
	s24 =	smov.u32 s18;
	[sflag:s12] =	ssyncadd.s32 $0xFFFF8000  }
.LBB2_5:
0x20: {  	s25 =	sadd.s32 s22, s21  }
0x21: {  	s25 =	sshll.u32 s25, $0xD  }
0x22: {  	s25 =	sor.u32 s23, s25  }
0x23: {  	s26 =	sadd.s32 s2, s25  }
0x24: {  	[tilespmem:s15], [sflag:$0x1] =	stream.strided.gather [hbm4b:s26+s13], $0x2000, s14, s13, $0x38;
	[tilespmem:$0x14000] =	vst v63  }
0x25: {  	_ =	swait.ge [sflag:s12], $0x2000  }
0x26: {  	[sflag:s12] =	ssyncset.done $0x0  }
0x27: {  	s25 =	sadd.s32 s1, s25;
	[sflag:s12] =	ssyncadd.s32 $0xFFFFE000  }
0x28: {  	[tilespmem:s16], [sflag:$0x1] =	stream.strided.gather [hbm4b:s25+s13], $0x2000, s14, s13, $0x38;
	[tilespmem:$0x14000] =	vst v63  }
0x29: {  	_ =	swait.ge [sflag:s12], $0x2000  }
0x2a: {  	s28 =	simm.s32 $0x0;
	[sflag:s12] =	ssyncset.done $0x0  }
0x2b: {  	s26 =	simm.s32 $0x10020;
	s25 =	simm.s32 $0x12020;
	[sflag:s12] =	ssyncadd.s32 $0xFFFFE000  }
.LBB2_6:
0x2c: {  	v3 =	vld [tilespmem:s26+$0xFFFFFFE0];
	_ =	sdelay $0x4  }
0x2d: {  	v3 =	vsub.s32 v3, v0  }
0x2e: {  	vm0 =	vgt.s32 v3, $0x0  }
0x2f: {  	vm1 =	vlt.u32 v3, $0x8000;
	v3 =	vnsel vm0, $0x0, v3  }
0x30: {  	v3 =	vmin.u32 v3, $0x7FFF;
	_ =	sdelay $0x4  }
0x31: {  	v4 =	vld.idx.msk [tilespmem:v3+s11+$0x0], vm1;
	_ =	sdelay $0x1  }
0x32: {  	s29 =	sadd.s32 s28, s24  }
0x33: {  	s30 =	sadd.s32 $0x1, s29  }
0x34: {  	v5 =	vadd.s32 s30, v2  }
0x35: {  	vm6 =	veq.s32 v4, v5  }
0x36: {  	vm0 =	vmand vm1, vm6  }
0x37: {  	v57 =	vld [tilespmem:s25+$0xFFFFFFE0];
	_ =	sdelay $0x4  }
0x38: {  	[tilespmem:v3+s6+$0x0] =	vst.idx.msk vm0, v57  }
0x39: {  	v3 =	vld [tilespmem:s26+$0xFFFFFFF0];
	_ =	sdelay $0x4  }
0x3a: {  	v3 =	vsub.s32 v3, v0  }
0x3b: {  	vm7 =	vgt.s32 v3, $0x0  }
0x3c: {  	vm8 =	vlt.u32 v3, $0x8000;
	v3 =	vnsel vm7, $0x0, v3  }
0x3d: {  	v3 =	vmin.u32 v3, $0x7FFF;
	_ =	sdelay $0x4  }
0x3e: {  	v4 =	vld.idx.msk [tilespmem:v3+s11+$0x0], vm8;
	_ =	sdelay $0x2  }
0x3f: {  	s31 =	sadd.s32 $0x11, s29  }
0x40: {  	v58 =	vadd.s32 s31, v2  }
0x41: {  	vm9 =	veq.s32 v4, v58  }
0x42: {  	vm0 =	vmand vm8, vm9  }
0x43: {  	v59 =	vld [tilespmem:s25+$0xFFFFFFF0];
	_ =	sdelay $0x4  }
0x44: {  	[tilespmem:v3+s6+$0x0] =	vst.idx.msk vm0, v59  }
0x45: {  	v3 =	vld [tilespmem:s26+$0x0];
	_ =	sdelay $0x4  }
0x46: {  	v3 =	vsub.s32 v3, v0  }
0x47: {  	vm10 =	vgt.s32 v3, $0x0  }
0x48: {  	vm11 =	vlt.u32 v3, $0x8000;
	v3 =	vnsel vm10, $0x0, v3  }
0x49: {  	v3 =	vmin.u32 v3, $0x7FFF;
	_ =	sdelay $0x4  }
0x4a: {  	v4 =	vld.idx.msk [tilespmem:v3+s11+$0x0], vm11;
	_ =	sdelay $0x2  }
0x4b: {  	s31 =	sadd.s32 $0x21, s29  }
0x4c: {  	v60 =	vadd.s32 s31, v2  }
0x4d: {  	vm12 =	veq.s32 v4, v60  }
0x4e: {  	vm0 =	vmand vm11, vm12  }
0x4f: {  	v61 =	vld [tilespmem:s25+$0x0];
	_ =	sdelay $0x4  }
0x50: {  	[tilespmem:v3+s6+$0x0] =	vst.idx.msk vm0, v61  }
0x51: {  	v3 =	vld [tilespmem:s26+$0x10];
	_ =	sdelay $0x4  }
0x52: {  	v3 =	vsub.s32 v3, v0  }
0x53: {  	vm13 =	vgt.s32 v3, $0x0  }
0x54: {  	vm14 =	vlt.u32 v3, $0x8000;
	v3 =	vnsel vm13, $0x0, v3  }
0x55: {  	v3 =	vmin.u32 v3, $0x7FFF;
	_ =	sdelay $0x4  }
0x56: {  	v4 =	vld.idx.msk [tilespmem:v3+s11+$0x0], vm14;
	_ =	sdelay $0x2  }
0x57: {  	s29 =	sadd.s32 $0x31, s29  }
0x58: {  	v62 =	vadd.s32 s29, v2  }
0x59: {  	vm15 =	veq.s32 v4, v62  }
0x5a: {  	vm0 =	vmand vm14, vm15  }
0x5b: {  	p0 =	sne.s32 s28, $0x1FC0;
	v63 =	vld [tilespmem:s25+$0x10]  }
.Ltmp1:
0x5c: {  	_ = 	snop;
	(pc) =	sbr.rel @p0 .LBB2_6-.Ltmp1, $2  }
0x5d: {  	_ =	sdelay $0x2  }
0x5e: {  	s28 =	sadd.s32 $0x40, s28;
	s25 =	sadd.s32 $0x40, s25;
	s26 =	sadd.s32 $0x40, s26;
	[tilespmem:v3+s6+$0x0] =	vst.idx.msk vm0, v63  }
0x5f: {  	s21 =	sadd.s32 $0x1, s21  }
0x60: {  	p0 =	sne.s32 s21, $0x8  }
.Ltmp2:
0x61: {  	_ = 	snop;
	(pc) =	sbr.rel @p0 .LBB2_5-.Ltmp2, $2  }
0x62: {  	_ =	sdelay $0x2  }
0x63: {  	s24 =	sadd.s32 $0x2000, s24  }
0x64: {  	s19 =	sadd.s32 $0x1, s19  }
0x65: {  	p0 =	sne.s32 s19, $0x30  }
.Ltmp3:
0x66: {  	s20 =	sadd.s32 s5, s20;
	(pc) =	sbr.rel @p0 .LBB2_2-.Ltmp3, $4  }
0x67: {  	[hbm4b:s20+s6] =	stream.linear.scatter [tilespmem:s6], [sflag:$0x1], $0x8000, $0x38;
	[tilespmem:$0x14000] =	vst v63  }
0x68: {  	_ =	swait.ge [sflag:s12], $0x8000  }
0x69: {  	[sflag:s12] =	ssyncset.done $0x0  }
0x6a: {  	s18 =	sadd.s32 $0x40000, s18;
	[sflag:s12] =	ssyncadd.s32 $0xFFFF8000  }
0x6b: {  	s17 =	sadd.s32 $0x1, s17  }
0x6c: {  	p0 =	sne.s32 s17, s9  }
.Ltmp4:
0x6d: {  	_ = 	snop;
	(pc) =	sbr.rel @p0 .LBB2_1-.Ltmp4, $1  }
0x6e: {  	_ =	sdelay $0x3  }
0x6f: {  	_ =	sfence.sel $0x180000  }
0x70: {  	[bflag:$0x0] =	sbarrier.arrive $0xFFFF  }
0x71: {  	p0 =	sne.s32 s3, $0x0;
	_ =	strace $0x90000047  }
0x72: {  	s0 =	sadd.s32 @!p0 $0x100000, s0;
	[bflag:$0x2] =	sbarrier.arrive $0xFFFF  }
0x73: {  	[sflag:s0] =	ssyncadd.tile.s32 @!p0 $0x1;
	_ =	shalt  }
.Lfunc_end2:
_tile_overlayer_lowered:
.L_overlay_start_2:
0x74: {  	(tag) =	ssettag $0x2  }
0x75: {  	s0 =	rddreg [dreg:$0x0];
	s2 =	stileid.u32  }
0x76: {  	s1 =	rddreg [dreg:$0x1];
	p0 =	sne.s32 s2, $0x0  }
0x77: {  	s3 =	rddreg [dreg:$0x2];
	[bflag:$0x3] =	sbarrier.arrive $0xFFFF;
	s2 =	simm.s32 @!p0 $0x1C01  }
0x78: {  	[timem:s3], [sflag:s2] =	dma.local @!p0 [hbm:s0], s1  }
0x79: {  	s0 =	simm.s32 @!p0 $0x1  }
0x7a: {  	_ =	swait.ge @!p0 [sflag:s0], s1  }
0x7b: {  	s1 =	ssub.s32 @!p0 $0x0, s1;
	[sflag:s0] =	ssyncset.done @!p0 $0x0  }
0x7c: {  	[sflag:s0] =	ssyncadd.s32 @!p0 s1  }
0x7d: {  	[bflag:$0x3] =	sbarrier.arrive $0xFFFF  }
0x7e: {  	_ =	shalt  }

</sc_bundles>
